<compile_context>
chip_gen: v7x
topology: tpu7x:2x2x1
jax: 0.10.2.dev20260603
libtpu: 0.0.44.dev20260713+nightly
codegen_flags: <defaults>
</compile_context>

<pallas_src>
import functools

import jax
import jax.numpy as jnp
from jax import lax
from jax.experimental import pallas as pl
from jax.experimental.pallas import tpu as pltpu
from jax.experimental.pallas import tpu_sc as plsc

B = 16384
D = 128
CHUNK = 64
NLANE = 16


@functools.cache
def _build_sc_kernel():
    info = plsc.get_sparse_core_info()
    ns = info.num_subcores
    n_hi = 12
    n_lo = 4
    mesh = plsc.VectorSubcoreMesh(core_axis_name="c", subcore_axis_name="s")

    @functools.partial(
        pl.kernel,
        out_type=jax.ShapeDtypeStruct((B * D,), jnp.float32),
        mesh=mesh,
        scratch_types=[
            pltpu.VMEM((1,), jnp.int32),
            pltpu.VMEM((1, D), jnp.float32),
            pltpu.VMEM((CHUNK * D,), jnp.float32),
            pltpu.SemaphoreType.DMA,
        ],
    )
    def sc_broadcast_lookup(idx_hbm, table_hbm, out_hbm, idx_v, row_v, buf_v, sem):
        s_idx = lax.axis_index("s")
        c_idx = lax.axis_index("c")
        base = jnp.where(
            c_idx == 1,
            s_idx * (n_hi * CHUNK * D),
            ns * (n_hi * CHUNK * D) + s_idx * (n_lo * CHUNK * D),
        )
        pltpu.sync_copy(idx_hbm, idx_v)
        pltpu.async_copy(table_hbm.at[idx_v], row_v, sem).wait()
        row = [row_v[0, pl.ds(j * NLANE, NLANE)] for j in range(D // NLANE)]

        @plsc.parallel_loop(0, CHUNK, unroll=4)
        def _fill(r):
            for j in range(D // NLANE):
                buf_v[pl.ds(r * D + j * NLANE, NLANE)] = row[j]

        copies = [
            pltpu.async_copy(
                buf_v, out_hbm.at[pl.ds(base + j * (CHUNK * D), CHUNK * D)], sem
            )
            for j in range(n_lo)
        ]

        @pl.when(c_idx == 1)
        def _():
            extra = [
                pltpu.async_copy(
                    buf_v,
                    out_hbm.at[pl.ds(base + j * (CHUNK * D), CHUNK * D)],
                    sem,
                )
                for j in range(n_lo, n_hi)
            ]
            for e in extra:
                e.wait()

        for c in copies:
            c.wait()

    return sc_broadcast_lookup


def kernel(task_id, batch_size, table):
    del batch_size
    idx = jnp.full((1,), task_id, dtype=jnp.int32)
    return _build_sc_kernel()(idx, table).reshape(B, D)

# --- scband reference (transcript-rebuilt; emitter-appended) ---
"""Pipeline reference for scband-task-prompt-66383014527660 (READ-ONLY COPY).

The authoritative reference and input builder live on the scoring server;
editing this copy changes nothing except your own understanding.
"""

import jax, jax.numpy as jnp
import numpy as np

NUM_TASKS = 100
TASK_DIM = 128

def setup_inputs(seed: int = 0) -> dict:
    key = jax.random.key(seed)
    k_table, = jax.random.split(key, 1)
    table = jax.random.normal(k_table, (NUM_TASKS, TASK_DIM), dtype=jnp.float32)
    return {"task_id": 7, "batch_size": 16384, "table": table}

def reference(task_id, batch_size, table):
    # torch: task_ids = torch.full((batch_size,), task_id); return emb(task_ids)
    batch_size = jnp.asarray(batch_size, dtype=jnp.int32)
    task_ids = jnp.full((16384,), task_id, dtype=jnp.int32) + (batch_size - batch_size)
    return jnp.take(table, task_ids, axis=0)

if __name__ == "__main__":
    import jax
    _d = setup_inputs()
    print(jax.jit(kernel)(*tuple(_d.values())))

</pallas_src>

<mosaic_0001>
#map = affine_map<(d0, d1) -> (0)>
#map1 = affine_map<(d0, d1) -> (0, 0)>
module attributes {stable_mosaic.version = 14 : i64} {
  func.func @sc_broadcast_lookup(%arg0: i32, %arg1: i32, %arg2: memref<1xi32, #tpu.memory_space<hbm>>, %arg3: memref<100x128xf32, #tpu.memory_space<hbm>>, %arg4: memref<2097152xf32, #tpu.memory_space<hbm>>, %arg5: memref<1xi32, #tpu.memory_space<vmem>>, %arg6: memref<1x128xf32, #tpu.memory_space<vmem>>, %arg7: memref<8192xf32, #tpu.memory_space<vmem>>, %arg8: memref<!tpu.dma_semaphore, #tpu.memory_space<semaphore_mem>>) attributes {dimension_semantics = [#tpu.dimension_semantics<core_parallel>, #tpu.dimension_semantics<subcore_parallel>], iteration_bounds = array<i64: 2, 16>, scalar_prefetch = 0 : i64, scratch_operands = 4 : i64, tpu.core_type = #tpu.core_type<sc_vector_subcore>, window_params = [{transform_indices = #map}, {transform_indices = #map1}, {transform_indices = #map}]} {
    %eq3A = arith.constant 1 : i32
    %eq3A_0 = arith.cmpi eq, %arg0, %eq3A : i32
    %mul3A = arith.constant 98304 : i32
    %mul3A_1 = arith.muli %arg1, %mul3A : i32
    %mul3A_2 = arith.constant 32768 : i32
    %mul3A_3 = arith.muli %arg1, %mul3A_2 : i32
    %add3A = arith.constant 1572864 : i32
    %add3A_4 = arith.addi %add3A, %mul3A_3 : i32
    %select_n3A = arith.select %eq3A_0, %mul3A_1, %add3A_4 : i32
    "tpu.region"() ({
      %run_scoped3A = tpu.sem_alloc : memref<!tpu.dma_semaphore, #tpu.memory_space<semaphore_mem>>
      tpu.enqueue_dma source(%arg2 : memref<1xi32, #tpu.memory_space<hbm>>) target(%arg5 : memref<1xi32, #tpu.memory_space<vmem>>) target_semaphore(%run_scoped3A : memref<!tpu.dma_semaphore, #tpu.memory_space<semaphore_mem>>)
      tpu.wait_dma2 semaphore(%run_scoped3A : memref<!tpu.dma_semaphore, #tpu.memory_space<semaphore_mem>>) src(%arg2 : memref<1xi32, #tpu.memory_space<hbm>>) dst(%arg5 : memref<1xi32, #tpu.memory_space<vmem>>)
      tpu.yield
    }) : () -> ()
    %dma_start3A = arith.constant 0 : i32
    %dma_start3A_5 = arith.constant 0 : i32
    %dma_start3A_6 = tpu.memref_slice %arg3[%dma_start3A, %dma_start3A_5] : memref<100x128xf32, #tpu.memory_space<hbm>> -> memref<100x128xf32, #tpu.memory_space<hbm>>
    tpu.enqueue_indirect_dma source(%dma_start3A_6 : memref<100x128xf32, #tpu.memory_space<hbm>>) target(%arg6 : memref<1x128xf32, #tpu.memory_space<vmem>>) offsets(%arg5 : memref<1xi32, #tpu.memory_space<vmem>>) semaphore(%arg8 : memref<!tpu.dma_semaphore, #tpu.memory_space<semaphore_mem>>)
    %dma_wait3A = arith.constant 0 : i32
    %dma_wait3A_7 = arith.constant 0 : i32
    %dma_wait3A_8 = tpu.memref_slice %arg3[%dma_wait3A, %dma_wait3A_7] : memref<100x128xf32, #tpu.memory_space<hbm>> -> memref<100x128xf32, #tpu.memory_space<hbm>>
    tpu.wait_indirect_dma semaphore(%arg8 : memref<!tpu.dma_semaphore, #tpu.memory_space<semaphore_mem>>) src(%dma_wait3A_8 : memref<100x128xf32, #tpu.memory_space<hbm>>) dst(%arg6 : memref<1x128xf32, #tpu.memory_space<vmem>>)
    %get3A = arith.constant 0 : i32
    %get3A_9 = arith.index_cast %get3A : i32 to index
    %get3A_10 = arith.constant 0 : index
    %get3A_11 = tpu.vector_load %arg6[%get3A_9, %get3A_10] {strides = array<i32>} : memref<1x128xf32, #tpu.memory_space<vmem>>, vector<1x16xf32>,
    %get3A_12 = vector.shape_cast %get3A_11 : vector<1x16xf32> to vector<16xf32>
    %get3A_13 = arith.constant 0 : i32
    %get3A_14 = arith.index_cast %get3A_13 : i32 to index
    %get3A_15 = arith.constant 16 : index
    %get3A_16 = tpu.vector_load %arg6[%get3A_14, %get3A_15] {strides = array<i32>} : memref<1x128xf32, #tpu.memory_space<vmem>>, vector<1x16xf32>,
    %get3A_17 = vector.shape_cast %get3A_16 : vector<1x16xf32> to vector<16xf32>
    %get3A_18 = arith.constant 0 : i32
    %get3A_19 = arith.index_cast %get3A_18 : i32 to index
    %get3A_20 = arith.constant 32 : index
    %get3A_21 = tpu.vector_load %arg6[%get3A_19, %get3A_20] {strides = array<i32>} : memref<1x128xf32, #tpu.memory_space<vmem>>, vector<1x16xf32>,
    %get3A_22 = vector.shape_cast %get3A_21 : vector<1x16xf32> to vector<16xf32>
    %get3A_23 = arith.constant 0 : i32
    %get3A_24 = arith.index_cast %get3A_23 : i32 to index
    %get3A_25 = arith.constant 48 : index
    %get3A_26 = tpu.vector_load %arg6[%get3A_24, %get3A_25] {strides = array<i32>} : memref<1x128xf32, #tpu.memory_space<vmem>>, vector<1x16xf32>,
    %get3A_27 = vector.shape_cast %get3A_26 : vector<1x16xf32> to vector<16xf32>
    %get3A_28 = arith.constant 0 : i32
    %get3A_29 = arith.index_cast %get3A_28 : i32 to index
    %get3A_30 = arith.constant 64 : index
    %get3A_31 = tpu.vector_load %arg6[%get3A_29, %get3A_30] {strides = array<i32>} : memref<1x128xf32, #tpu.memory_space<vmem>>, vector<1x16xf32>,
    %get3A_32 = vector.shape_cast %get3A_31 : vector<1x16xf32> to vector<16xf32>
    %get3A_33 = arith.constant 0 : i32
    %get3A_34 = arith.index_cast %get3A_33 : i32 to index
    %get3A_35 = arith.constant 80 : index
    %get3A_36 = tpu.vector_load %arg6[%get3A_34, %get3A_35] {strides = array<i32>} : memref<1x128xf32, #tpu.memory_space<vmem>>, vector<1x16xf32>,
    %get3A_37 = vector.shape_cast %get3A_36 : vector<1x16xf32> to vector<16xf32>
    %get3A_38 = arith.constant 0 : i32
    %get3A_39 = arith.index_cast %get3A_38 : i32 to index
    %get3A_40 = arith.constant 96 : index
    %get3A_41 = tpu.vector_load %arg6[%get3A_39, %get3A_40] {strides = array<i32>} : memref<1x128xf32, #tpu.memory_space<vmem>>, vector<1x16xf32>,
    %get3A_42 = vector.shape_cast %get3A_41 : vector<1x16xf32> to vector<16xf32>
    %get3A_43 = arith.constant 0 : i32
    %get3A_44 = arith.index_cast %get3A_43 : i32 to index
    %get3A_45 = arith.constant 112 : index
    %get3A_46 = tpu.vector_load %arg6[%get3A_44, %get3A_45] {strides = array<i32>} : memref<1x128xf32, #tpu.memory_space<vmem>>, vector<1x16xf32>,
    %get3A_47 = vector.shape_cast %get3A_46 : vector<1x16xf32> to vector<16xf32>
    %parallel_loop3A = arith.constant 0 : i32
    %parallel_loop3A_48 = arith.constant 64 : i32
    %parallel_loop3A_49 = arith.constant 1 : i32
    scf.for %parallel_loop3A_77 = %parallel_loop3A to %parallel_loop3A_48 step %parallel_loop3A_49  : i32 {
      %parallel_loop3A_78 = arith.constant 128 : i32
      %parallel_loop3A_79 = arith.muli %parallel_loop3A_77, %parallel_loop3A_78 : i32
      %parallel_loop3A_80 = arith.constant 0 : i32
      %parallel_loop3A_81 = arith.addi %parallel_loop3A_79, %parallel_loop3A_80 : i32
      %parallel_loop3A_82 = arith.index_cast %parallel_loop3A_81 : i32 to index
      %parallel_loop3A_83 = tpu.vector_load %arg7[%parallel_loop3A_82] {strides = array<i32>} : memref<8192xf32, #tpu.memory_space<vmem>>, vector<16xf32>,
      %parallel_loop3A_84 = vector.shape_cast %parallel_loop3A_83 : vector<16xf32> to vector<16xf32>
      %parallel_loop3A_85 = vector.shape_cast %get3A_12 : vector<16xf32> to vector<16xf32>
      tpu.vector_store %arg7[%parallel_loop3A_82], %parallel_loop3A_85 {strides = array<i32>} : memref<8192xf32, #tpu.memory_space<vmem>>, vector<16xf32>,
      %parallel_loop3A_86 = arith.constant 128 : i32
      %parallel_loop3A_87 = arith.muli %parallel_loop3A_77, %parallel_loop3A_86 : i32
      %parallel_loop3A_88 = arith.constant 16 : i32
      %parallel_loop3A_89 = arith.addi %parallel_loop3A_87, %parallel_loop3A_88 : i32
      %parallel_loop3A_90 = arith.index_cast %parallel_loop3A_89 : i32 to index
      %parallel_loop3A_91 = tpu.vector_load %arg7[%parallel_loop3A_90] {strides = array<i32>} : memref<8192xf32, #tpu.memory_space<vmem>>, vector<16xf32>,
      %parallel_loop3A_92 = vector.shape_cast %parallel_loop3A_91 : vector<16xf32> to vector<16xf32>
      %parallel_loop3A_93 = vector.shape_cast %get3A_17 : vector<16xf32> to vector<16xf32>
      tpu.vector_store %arg7[%parallel_loop3A_90], %parallel_loop3A_93 {strides = array<i32>} : memref<8192xf32, #tpu.memory_space<vmem>>, vector<16xf32>,
      %parallel_loop3A_94 = arith.constant 128 : i32
      %parallel_loop3A_95 = arith.muli %parallel_loop3A_77, %parallel_loop3A_94 : i32
      %parallel_loop3A_96 = arith.constant 32 : i32
      %parallel_loop3A_97 = arith.addi %parallel_loop3A_95, %parallel_loop3A_96 : i32
      %parallel_loop3A_98 = arith.index_cast %parallel_loop3A_97 : i32 to index
      %parallel_loop3A_99 = tpu.vector_load %arg7[%parallel_loop3A_98] {strides = array<i32>} : memref<8192xf32, #tpu.memory_space<vmem>>, vector<16xf32>,
      %parallel_loop3A_100 = vector.shape_cast %parallel_loop3A_99 : vector<16xf32> to vector<16xf32>
      %parallel_loop3A_101 = vector.shape_cast %get3A_22 : vector<16xf32> to vector<16xf32>
      tpu.vector_store %arg7[%parallel_loop3A_98], %parallel_loop3A_101 {strides = array<i32>} : memref<8192xf32, #tpu.memory_space<vmem>>, vector<16xf32>,
      %parallel_loop3A_102 = arith.constant 128 : i32
      %parallel_loop3A_103 = arith.muli %parallel_loop3A_77, %parallel_loop3A_102 : i32
      %parallel_loop3A_104 = arith.constant 48 : i32
      %parallel_loop3A_105 = arith.addi %parallel_loop3A_103, %parallel_loop3A_104 : i32
      %parallel_loop3A_106 = arith.index_cast %parallel_loop3A_105 : i32 to index
      %parallel_loop3A_107 = tpu.vector_load %arg7[%parallel_loop3A_106] {strides = array<i32>} : memref<8192xf32, #tpu.memory_space<vmem>>, vector<16xf32>,
      %parallel_loop3A_108 = vector.shape_cast %parallel_loop3A_107 : vector<16xf32> to vector<16xf32>
      %parallel_loop3A_109 = vector.shape_cast %get3A_27 : vector<16xf32> to vector<16xf32>
      tpu.vector_store %arg7[%parallel_loop3A_106], %parallel_loop3A_109 {strides = array<i32>} : memref<8192xf32, #tpu.memory_space<vmem>>, vector<16xf32>,
      %parallel_loop3A_110 = arith.constant 128 : i32
      %parallel_loop3A_111 = arith.muli %parallel_loop3A_77, %parallel_loop3A_110 : i32
      %parallel_loop3A_112 = arith.constant 64 : i32
      %parallel_loop3A_113 = arith.addi %parallel_loop3A_111, %parallel_loop3A_112 : i32
      %parallel_loop3A_114 = arith.index_cast %parallel_loop3A_113 : i32 to index
      %parallel_loop3A_115 = tpu.vector_load %arg7[%parallel_loop3A_114] {strides = array<i32>} : memref<8192xf32, #tpu.memory_space<vmem>>, vector<16xf32>,
      %parallel_loop3A_116 = vector.shape_cast %parallel_loop3A_115 : vector<16xf32> to vector<16xf32>
      %parallel_loop3A_117 = vector.shape_cast %get3A_32 : vector<16xf32> to vector<16xf32>
      tpu.vector_store %arg7[%parallel_loop3A_114], %parallel_loop3A_117 {strides = array<i32>} : memref<8192xf32, #tpu.memory_space<vmem>>, vector<16xf32>,
      %parallel_loop3A_118 = arith.constant 128 : i32
      %parallel_loop3A_119 = arith.muli %parallel_loop3A_77, %parallel_loop3A_118 : i32
      %parallel_loop3A_120 = arith.constant 80 : i32
      %parallel_loop3A_121 = arith.addi %parallel_loop3A_119, %parallel_loop3A_120 : i32
      %parallel_loop3A_122 = arith.index_cast %parallel_loop3A_121 : i32 to index
      %parallel_loop3A_123 = tpu.vector_load %arg7[%parallel_loop3A_122] {strides = array<i32>} : memref<8192xf32, #tpu.memory_space<vmem>>, vector<16xf32>,
      %parallel_loop3A_124 = vector.shape_cast %parallel_loop3A_123 : vector<16xf32> to vector<16xf32>
      %parallel_loop3A_125 = vector.shape_cast %get3A_37 : vector<16xf32> to vector<16xf32>
      tpu.vector_store %arg7[%parallel_loop3A_122], %parallel_loop3A_125 {strides = array<i32>} : memref<8192xf32, #tpu.memory_space<vmem>>, vector<16xf32>,
      %parallel_loop3A_126 = arith.constant 128 : i32
      %parallel_loop3A_127 = arith.muli %parallel_loop3A_77, %parallel_loop3A_126 : i32
      %parallel_loop3A_128 = arith.constant 96 : i32
      %parallel_loop3A_129 = arith.addi %parallel_loop3A_127, %parallel_loop3A_128 : i32
      %parallel_loop3A_130 = arith.index_cast %parallel_loop3A_129 : i32 to index
      %parallel_loop3A_131 = tpu.vector_load %arg7[%parallel_loop3A_130] {strides = array<i32>} : memref<8192xf32, #tpu.memory_space<vmem>>, vector<16xf32>,
      %parallel_loop3A_132 = vector.shape_cast %parallel_loop3A_131 : vector<16xf32> to vector<16xf32>
      %parallel_loop3A_133 = vector.shape_cast %get3A_42 : vector<16xf32> to vector<16xf32>
      tpu.vector_store %arg7[%parallel_loop3A_130], %parallel_loop3A_133 {strides = array<i32>} : memref<8192xf32, #tpu.memory_space<vmem>>, vector<16xf32>,
      %parallel_loop3A_134 = arith.constant 128 : i32
      %parallel_loop3A_135 = arith.muli %parallel_loop3A_77, %parallel_loop3A_134 : i32
      %parallel_loop3A_136 = arith.constant 112 : i32
      %parallel_loop3A_137 = arith.addi %parallel_loop3A_135, %parallel_loop3A_136 : i32
      %parallel_loop3A_138 = arith.index_cast %parallel_loop3A_137 : i32 to index
      %parallel_loop3A_139 = tpu.vector_load %arg7[%parallel_loop3A_138] {strides = array<i32>} : memref<8192xf32, #tpu.memory_space<vmem>>, vector<16xf32>,
      %parallel_loop3A_140 = vector.shape_cast %parallel_loop3A_139 : vector<16xf32> to vector<16xf32>
      %parallel_loop3A_141 = vector.shape_cast %get3A_47 : vector<16xf32> to vector<16xf32>
      tpu.vector_store %arg7[%parallel_loop3A_138], %parallel_loop3A_141 {strides = array<i32>} : memref<8192xf32, #tpu.memory_space<vmem>>, vector<16xf32>,
    } {sc.loop_unroll_factor = 4 : i64, sc.parallel_access}
    %add3A_50 = arith.constant 0 : i32
    %add3A_51 = arith.addi %select_n3A, %add3A_50 : i32
    %dma_start3A_52 = tpu.memref_slice %arg4[%add3A_51] : memref<2097152xf32, #tpu.memory_space<hbm>> -> memref<8192xf32, #tpu.memory_space<hbm>>
    %dma_start3A_53 = tpu.memref_slice %arg4[%add3A_51] : memref<2097152xf32, #tpu.memory_space<hbm>> -> memref<8192xf32, #tpu.memory_space<hbm>>
    tpu.enqueue_dma source(%arg7 : memref<8192xf32, #tpu.memory_space<vmem>>) target(%dma_start3A_53 : memref<8192xf32, #tpu.memory_space<hbm>>) target_semaphore(%arg8 : memref<!tpu.dma_semaphore, #tpu.memory_space<semaphore_mem>>)
    %add3A_54 = arith.constant 8192 : i32
    %add3A_55 = arith.addi %select_n3A, %add3A_54 : i32
    %dma_start3A_56 = tpu.memref_slice %arg4[%add3A_55] : memref<2097152xf32, #tpu.memory_space<hbm>> -> memref<8192xf32, #tpu.memory_space<hbm>>
    %dma_start3A_57 = tpu.memref_slice %arg4[%add3A_55] : memref<2097152xf32, #tpu.memory_space<hbm>> -> memref<8192xf32, #tpu.memory_space<hbm>>
    tpu.enqueue_dma source(%arg7 : memref<8192xf32, #tpu.memory_space<vmem>>) target(%dma_start3A_57 : memref<8192xf32, #tpu.memory_space<hbm>>) target_semaphore(%arg8 : memref<!tpu.dma_semaphore, #tpu.memory_space<semaphore_mem>>)
    %add3A_58 = arith.constant 16384 : i32
    %add3A_59 = arith.addi %select_n3A, %add3A_58 : i32
    %dma_start3A_60 = tpu.memref_slice %arg4[%add3A_59] : memref<2097152xf32, #tpu.memory_space<hbm>> -> memref<8192xf32, #tpu.memory_space<hbm>>
    %dma_start3A_61 = tpu.memref_slice %arg4[%add3A_59] : memref<2097152xf32, #tpu.memory_space<hbm>> -> memref<8192xf32, #tpu.memory_space<hbm>>
    tpu.enqueue_dma source(%arg7 : memref<8192xf32, #tpu.memory_space<vmem>>) target(%dma_start3A_61 : memref<8192xf32, #tpu.memory_space<hbm>>) target_semaphore(%arg8 : memref<!tpu.dma_semaphore, #tpu.memory_space<semaphore_mem>>)
    %add3A_62 = arith.constant 24576 : i32
    %add3A_63 = arith.addi %select_n3A, %add3A_62 : i32
    %dma_start3A_64 = tpu.memref_slice %arg4[%add3A_63] : memref<2097152xf32, #tpu.memory_space<hbm>> -> memref<8192xf32, #tpu.memory_space<hbm>>
    %dma_start3A_65 = tpu.memref_slice %arg4[%add3A_63] : memref<2097152xf32, #tpu.memory_space<hbm>> -> memref<8192xf32, #tpu.memory_space<hbm>>
    tpu.enqueue_dma source(%arg7 : memref<8192xf32, #tpu.memory_space<vmem>>) target(%dma_start3A_65 : memref<8192xf32, #tpu.memory_space<hbm>>) target_semaphore(%arg8 : memref<!tpu.dma_semaphore, #tpu.memory_space<semaphore_mem>>)
    %eq3A_66 = arith.constant 1 : i32
    %eq3A_67 = arith.cmpi eq, %arg0, %eq3A_66 : i32
    %convert_element_type3A = arith.extui %eq3A_67 : i1 to i32
    %cond3A = arith.constant 0 : i32
    %cond3A_68 = arith.cmpi ne, %convert_element_type3A, %cond3A : i32
    scf.if %cond3A_68 {
      %add3A_77 = arith.constant 32768 : i32
      %add3A_78 = arith.addi %select_n3A, %add3A_77 : i32
      %dma_start3A_79 = tpu.memref_slice %arg4[%add3A_78] : memref<2097152xf32, #tpu.memory_space<hbm>> -> memref<8192xf32, #tpu.memory_space<hbm>>
      %dma_start3A_80 = tpu.memref_slice %arg4[%add3A_78] : memref<2097152xf32, #tpu.memory_space<hbm>> -> memref<8192xf32, #tpu.memory_space<hbm>>
      tpu.enqueue_dma source(%arg7 : memref<8192xf32, #tpu.memory_space<vmem>>) target(%dma_start3A_80 : memref<8192xf32, #tpu.memory_space<hbm>>) target_semaphore(%arg8 : memref<!tpu.dma_semaphore, #tpu.memory_space<semaphore_mem>>)
      %add3A_81 = arith.constant 40960 : i32
      %add3A_82 = arith.addi %select_n3A, %add3A_81 : i32
      %dma_start3A_83 = tpu.memref_slice %arg4[%add3A_82] : memref<2097152xf32, #tpu.memory_space<hbm>> -> memref<8192xf32, #tpu.memory_space<hbm>>
      %dma_start3A_84 = tpu.memref_slice %arg4[%add3A_82] : memref<2097152xf32, #tpu.memory_space<hbm>> -> memref<8192xf32, #tpu.memory_space<hbm>>
      tpu.enqueue_dma source(%arg7 : memref<8192xf32, #tpu.memory_space<vmem>>) target(%dma_start3A_84 : memref<8192xf32, #tpu.memory_space<hbm>>) target_semaphore(%arg8 : memref<!tpu.dma_semaphore, #tpu.memory_space<semaphore_mem>>)
      %add3A_85 = arith.constant 49152 : i32
      %add3A_86 = arith.addi %select_n3A, %add3A_85 : i32
      %dma_start3A_87 = tpu.memref_slice %arg4[%add3A_86] : memref<2097152xf32, #tpu.memory_space<hbm>> -> memref<8192xf32, #tpu.memory_space<hbm>>
      %dma_start3A_88 = tpu.memref_slice %arg4[%add3A_86] : memref<2097152xf32, #tpu.memory_space<hbm>> -> memref<8192xf32, #tpu.memory_space<hbm>>
      tpu.enqueue_dma source(%arg7 : memref<8192xf32, #tpu.memory_space<vmem>>) target(%dma_start3A_88 : memref<8192xf32, #tpu.memory_space<hbm>>) target_semaphore(%arg8 : memref<!tpu.dma_semaphore, #tpu.memory_space<semaphore_mem>>)
      %add3A_89 = arith.constant 57344 : i32
      %add3A_90 = arith.addi %select_n3A, %add3A_89 : i32
      %dma_start3A_91 = tpu.memref_slice %arg4[%add3A_90] : memref<2097152xf32, #tpu.memory_space<hbm>> -> memref<8192xf32, #tpu.memory_space<hbm>>
      %dma_start3A_92 = tpu.memref_slice %arg4[%add3A_90] : memref<2097152xf32, #tpu.memory_space<hbm>> -> memref<8192xf32, #tpu.memory_space<hbm>>
      tpu.enqueue_dma source(%arg7 : memref<8192xf32, #tpu.memory_space<vmem>>) target(%dma_start3A_92 : memref<8192xf32, #tpu.memory_space<hbm>>) target_semaphore(%arg8 : memref<!tpu.dma_semaphore, #tpu.memory_space<semaphore_mem>>)
      %add3A_93 = arith.constant 65536 : i32
      %add3A_94 = arith.addi %select_n3A, %add3A_93 : i32
      %dma_start3A_95 = tpu.memref_slice %arg4[%add3A_94] : memref<2097152xf32, #tpu.memory_space<hbm>> -> memref<8192xf32, #tpu.memory_space<hbm>>
      %dma_start3A_96 = tpu.memref_slice %arg4[%add3A_94] : memref<2097152xf32, #tpu.memory_space<hbm>> -> memref<8192xf32, #tpu.memory_space<hbm>>
      tpu.enqueue_dma source(%arg7 : memref<8192xf32, #tpu.memory_space<vmem>>) target(%dma_start3A_96 : memref<8192xf32, #tpu.memory_space<hbm>>) target_semaphore(%arg8 : memref<!tpu.dma_semaphore, #tpu.memory_space<semaphore_mem>>)
      %add3A_97 = arith.constant 73728 : i32
      %add3A_98 = arith.addi %select_n3A, %add3A_97 : i32
      %dma_start3A_99 = tpu.memref_slice %arg4[%add3A_98] : memref<2097152xf32, #tpu.memory_space<hbm>> -> memref<8192xf32, #tpu.memory_space<hbm>>
      %dma_start3A_100 = tpu.memref_slice %arg4[%add3A_98] : memref<2097152xf32, #tpu.memory_space<hbm>> -> memref<8192xf32, #tpu.memory_space<hbm>>
      tpu.enqueue_dma source(%arg7 : memref<8192xf32, #tpu.memory_space<vmem>>) target(%dma_start3A_100 : memref<8192xf32, #tpu.memory_space<hbm>>) target_semaphore(%arg8 : memref<!tpu.dma_semaphore, #tpu.memory_space<semaphore_mem>>)
      %add3A_101 = arith.constant 81920 : i32
      %add3A_102 = arith.addi %select_n3A, %add3A_101 : i32
      %dma_start3A_103 = tpu.memref_slice %arg4[%add3A_102] : memref<2097152xf32, #tpu.memory_space<hbm>> -> memref<8192xf32, #tpu.memory_space<hbm>>
      %dma_start3A_104 = tpu.memref_slice %arg4[%add3A_102] : memref<2097152xf32, #tpu.memory_space<hbm>> -> memref<8192xf32, #tpu.memory_space<hbm>>
      tpu.enqueue_dma source(%arg7 : memref<8192xf32, #tpu.memory_space<vmem>>) target(%dma_start3A_104 : memref<8192xf32, #tpu.memory_space<hbm>>) target_semaphore(%arg8 : memref<!tpu.dma_semaphore, #tpu.memory_space<semaphore_mem>>)
      %add3A_105 = arith.constant 90112 : i32
      %add3A_106 = arith.addi %select_n3A, %add3A_105 : i32
      %dma_start3A_107 = tpu.memref_slice %arg4[%add3A_106] : memref<2097152xf32, #tpu.memory_space<hbm>> -> memref<8192xf32, #tpu.memory_space<hbm>>
      %dma_start3A_108 = tpu.memref_slice %arg4[%add3A_106] : memref<2097152xf32, #tpu.memory_space<hbm>> -> memref<8192xf32, #tpu.memory_space<hbm>>
      tpu.enqueue_dma source(%arg7 : memref<8192xf32, #tpu.memory_space<vmem>>) target(%dma_start3A_108 : memref<8192xf32, #tpu.memory_space<hbm>>) target_semaphore(%arg8 : memref<!tpu.dma_semaphore, #tpu.memory_space<semaphore_mem>>)
      %dma_wait3A_109 = tpu.memref_slice %arg4[%add3A_78] : memref<2097152xf32, #tpu.memory_space<hbm>> -> memref<8192xf32, #tpu.memory_space<hbm>>
      %dma_wait3A_110 = tpu.memref_slice %arg4[%add3A_78] : memref<2097152xf32, #tpu.memory_space<hbm>> -> memref<8192xf32, #tpu.memory_space<hbm>>
      tpu.wait_dma2 semaphore(%arg8 : memref<!tpu.dma_semaphore, #tpu.memory_space<semaphore_mem>>) src(%arg7 : memref<8192xf32, #tpu.memory_space<vmem>>) dst(%dma_wait3A_110 : memref<8192xf32, #tpu.memory_space<hbm>>)
      %dma_wait3A_111 = tpu.memref_slice %arg4[%add3A_82] : memref<2097152xf32, #tpu.memory_space<hbm>> -> memref<8192xf32, #tpu.memory_space<hbm>>
      %dma_wait3A_112 = tpu.memref_slice %arg4[%add3A_82] : memref<2097152xf32, #tpu.memory_space<hbm>> -> memref<8192xf32, #tpu.memory_space<hbm>>
      tpu.wait_dma2 semaphore(%arg8 : memref<!tpu.dma_semaphore, #tpu.memory_space<semaphore_mem>>) src(%arg7 : memref<8192xf32, #tpu.memory_space<vmem>>) dst(%dma_wait3A_112 : memref<8192xf32, #tpu.memory_space<hbm>>)
      %dma_wait3A_113 = tpu.memref_slice %arg4[%add3A_86] : memref<2097152xf32, #tpu.memory_space<hbm>> -> memref<8192xf32, #tpu.memory_space<hbm>>
      %dma_wait3A_114 = tpu.memref_slice %arg4[%add3A_86] : memref<2097152xf32, #tpu.memory_space<hbm>> -> memref<8192xf32, #tpu.memory_space<hbm>>
      tpu.wait_dma2 semaphore(%arg8 : memref<!tpu.dma_semaphore, #tpu.memory_space<semaphore_mem>>) src(%arg7 : memref<8192xf32, #tpu.memory_space<vmem>>) dst(%dma_wait3A_114 : memref<8192xf32, #tpu.memory_space<hbm>>)
      %dma_wait3A_115 = tpu.memref_slice %arg4[%add3A_90] : memref<2097152xf32, #tpu.memory_space<hbm>> -> memref<8192xf32, #tpu.memory_space<hbm>>
      %dma_wait3A_116 = tpu.memref_slice %arg4[%add3A_90] : memref<2097152xf32, #tpu.memory_space<hbm>> -> memref<8192xf32, #tpu.memory_space<hbm>>
      tpu.wait_dma2 semaphore(%arg8 : memref<!tpu.dma_semaphore, #tpu.memory_space<semaphore_mem>>) src(%arg7 : memref<8192xf32, #tpu.memory_space<vmem>>) dst(%dma_wait3A_116 : memref<8192xf32, #tpu.memory_space<hbm>>)
      %dma_wait3A_117 = tpu.memref_slice %arg4[%add3A_94] : memref<2097152xf32, #tpu.memory_space<hbm>> -> memref<8192xf32, #tpu.memory_space<hbm>>
      %dma_wait3A_118 = tpu.memref_slice %arg4[%add3A_94] : memref<2097152xf32, #tpu.memory_space<hbm>> -> memref<8192xf32, #tpu.memory_space<hbm>>
      tpu.wait_dma2 semaphore(%arg8 : memref<!tpu.dma_semaphore, #tpu.memory_space<semaphore_mem>>) src(%arg7 : memref<8192xf32, #tpu.memory_space<vmem>>) dst(%dma_wait3A_118 : memref<8192xf32, #tpu.memory_space<hbm>>)
      %dma_wait3A_119 = tpu.memref_slice %arg4[%add3A_98] : memref<2097152xf32, #tpu.memory_space<hbm>> -> memref<8192xf32, #tpu.memory_space<hbm>>
      %dma_wait3A_120 = tpu.memref_slice %arg4[%add3A_98] : memref<2097152xf32, #tpu.memory_space<hbm>> -> memref<8192xf32, #tpu.memory_space<hbm>>
      tpu.wait_dma2 semaphore(%arg8 : memref<!tpu.dma_semaphore, #tpu.memory_space<semaphore_mem>>) src(%arg7 : memref<8192xf32, #tpu.memory_space<vmem>>) dst(%dma_wait3A_120 : memref<8192xf32, #tpu.memory_space<hbm>>)
      %dma_wait3A_121 = tpu.memref_slice %arg4[%add3A_102] : memref<2097152xf32, #tpu.memory_space<hbm>> -> memref<8192xf32, #tpu.memory_space<hbm>>
      %dma_wait3A_122 = tpu.memref_slice %arg4[%add3A_102] : memref<2097152xf32, #tpu.memory_space<hbm>> -> memref<8192xf32, #tpu.memory_space<hbm>>
      tpu.wait_dma2 semaphore(%arg8 : memref<!tpu.dma_semaphore, #tpu.memory_space<semaphore_mem>>) src(%arg7 : memref<8192xf32, #tpu.memory_space<vmem>>) dst(%dma_wait3A_122 : memref<8192xf32, #tpu.memory_space<hbm>>)
      %dma_wait3A_123 = tpu.memref_slice %arg4[%add3A_106] : memref<2097152xf32, #tpu.memory_space<hbm>> -> memref<8192xf32, #tpu.memory_space<hbm>>
      %dma_wait3A_124 = tpu.memref_slice %arg4[%add3A_106] : memref<2097152xf32, #tpu.memory_space<hbm>> -> memref<8192xf32, #tpu.memory_space<hbm>>
      tpu.wait_dma2 semaphore(%arg8 : memref<!tpu.dma_semaphore, #tpu.memory_space<semaphore_mem>>) src(%arg7 : memref<8192xf32, #tpu.memory_space<vmem>>) dst(%dma_wait3A_124 : memref<8192xf32, #tpu.memory_space<hbm>>)
    } else {
    }
    %dma_wait3A_69 = tpu.memref_slice %arg4[%add3A_51] : memref<2097152xf32, #tpu.memory_space<hbm>> -> memref<8192xf32, #tpu.memory_space<hbm>>
    %dma_wait3A_70 = tpu.memref_slice %arg4[%add3A_51] : memref<2097152xf32, #tpu.memory_space<hbm>> -> memref<8192xf32, #tpu.memory_space<hbm>>
    tpu.wait_dma2 semaphore(%arg8 : memref<!tpu.dma_semaphore, #tpu.memory_space<semaphore_mem>>) src(%arg7 : memref<8192xf32, #tpu.memory_space<vmem>>) dst(%dma_wait3A_70 : memref<8192xf32, #tpu.memory_space<hbm>>)
    %dma_wait3A_71 = tpu.memref_slice %arg4[%add3A_55] : memref<2097152xf32, #tpu.memory_space<hbm>> -> memref<8192xf32, #tpu.memory_space<hbm>>
    %dma_wait3A_72 = tpu.memref_slice %arg4[%add3A_55] : memref<2097152xf32, #tpu.memory_space<hbm>> -> memref<8192xf32, #tpu.memory_space<hbm>>
    tpu.wait_dma2 semaphore(%arg8 : memref<!tpu.dma_semaphore, #tpu.memory_space<semaphore_mem>>) src(%arg7 : memref<8192xf32, #tpu.memory_space<vmem>>) dst(%dma_wait3A_72 : memref<8192xf32, #tpu.memory_space<hbm>>)
    %dma_wait3A_73 = tpu.memref_slice %arg4[%add3A_59] : memref<2097152xf32, #tpu.memory_space<hbm>> -> memref<8192xf32, #tpu.memory_space<hbm>>
    %dma_wait3A_74 = tpu.memref_slice %arg4[%add3A_59] : memref<2097152xf32, #tpu.memory_space<hbm>> -> memref<8192xf32, #tpu.memory_space<hbm>>
    tpu.wait_dma2 semaphore(%arg8 : memref<!tpu.dma_semaphore, #tpu.memory_space<semaphore_mem>>) src(%arg7 : memref<8192xf32, #tpu.memory_space<vmem>>) dst(%dma_wait3A_74 : memref<8192xf32, #tpu.memory_space<hbm>>)
    %dma_wait3A_75 = tpu.memref_slice %arg4[%add3A_63] : memref<2097152xf32, #tpu.memory_space<hbm>> -> memref<8192xf32, #tpu.memory_space<hbm>>
    %dma_wait3A_76 = tpu.memref_slice %arg4[%add3A_63] : memref<2097152xf32, #tpu.memory_space<hbm>> -> memref<8192xf32, #tpu.memory_space<hbm>>
    tpu.wait_dma2 semaphore(%arg8 : memref<!tpu.dma_semaphore, #tpu.memory_space<semaphore_mem>>) src(%arg7 : memref<8192xf32, #tpu.memory_space<vmem>>) dst(%dma_wait3A_76 : memref<8192xf32, #tpu.memory_space<hbm>>)
    return
  }
}

</mosaic_0001>

<sc_bundles>
// kernel: kernel.3.cloned.1.call-start
scs
__scs_entry_jumppad:
0x0: {  	(pc) =	sbr.rel $0x88, $3  }
0x1: {  	(tag) =	ssettag $0x0;
	lr =	simm.s32 $0x1  }
0x2: {  	[smem:$0x3F9F] =	sst lr;
	_ =	strace $0xD0000000  }
0x3: {  	_ = 	snop  }
0x4: {  	_ = 	snop  }
0x5: {  	_ = 	snop  }
0x6: {  	_ = 	snop  }
0x7: {  	_ = 	snop  }
__scs_overlays_trampoline_lowered:
0x8: {  	[smem:$0x3FAE] =	sst s0  }
0x9: {  	[smem:$0x3FAF] =	sst s1  }
0xa: {  	[smem:$0x3FB0] =	sst s2  }
0xb: {  	[smem:$0x3FB1] =	sst s3  }
0xc: {  	[smem:$0x3FB2] =	sst s4  }
0xd: {  	[smem:$0x3FB3] =	sst s5  }
0xe: {  	[smem:$0x3FB4] =	sst s6  }
0xf: {  	[smem:$0x3FB5] =	sst s7  }
0x10: {  	[smem:$0x3FB6] =	sst s8  }
0x11: {  	[smem:$0x3FB7] =	sst s9;
	s0 =	simm.s32 @!p0 $0x0  }
0x12: {  	s1 =	sld [smem:$0x3F9D];
	s0 =	simm.s32 @p0 $0x1  }
0x13: {  	[smem:$0x3FB8] =	sst s0;
	s0 =	simm.s32 @!p1 $0x0  }
0x14: {  	s2 =	sld [smem:$0x3F9C];
	s0 =	simm.s32 @p1 $0x1  }
0x15: {  	[smem:$0x3FB9] =	sst s0;
	s0 =	simm.s32 @!p2 $0x0  }
0x16: {  	s3 =	sld [smem:$0x3FDB];
	s0 =	simm.s32 @p2 $0x1  }
0x17: {  	s4 =	simm.s32 $0x1BF5;
	[smem:$0x3FBB] =	sst s0  }
0x18: {  	s0 =	sld [smem:$0x3F9E];
	_ =	swait.ge [sflag:s4], $0x0  }
0x19: {  	s7 =	sld [smem:$0x3F9F]  }
0x1a: {  	s8 =	sadd.s32 $0xFFFFE003, lr  }
0x1b: {  	s9 =	sadd.s32 $0xFFFFFEF7, lr;
	s5 =	simm.s32 $0xFFFFFFFF;
	p2 =	slt.u32 s8, $0xFFFFF086  }
0x1c: {  	p1 =	slt.u32 s9, $0xF7A;
	s5 =	simm.s32 @!p2 $0x0  }
0x1d: {  	s5 =	simm.s32 @p1 $0x1;
	p0 =	seq.s32 s7, s2  }
0x1e: {  	s7 =	smul.u32 @!p0 $0xF7A, s2;
	p2 =	seq.s32 @!p0 s5, $0x0  }
0x1f: {  	s9 =	smul.u32 $0xF7A, s1;
	s8 =	simm.s32 @!p0 $0x1BF5;
	p2 =	por !p2, p0  }
0x20: {  	[sflag:s8] =	ssyncset.s32 @!p0 $0xFFFFF086;
	s6 =	sadd.s32 @!p0 s3, s7;
	s7 =	simm.s32 @!p0 $0x108  }
0x21: {  	s3 =	sadd.s32 s3, s9;
	s6 =	sadd.s32 @!p0 $0x88, s6;
	s7 =	simm.s32 @p2 $0x1082  }
0x22: {  	[simem:s7], [sflag:s8] =	dma.local @!p0 [hbm:s6], $0xF7A  }
0x23: {  	s9 =	sor.u32 $0xD0000000, s2;
	s6 =	simm.s32 $0x108;
	_ =	swait.ge @!p0 [sflag:s8], $0x0  }
0x24: {  	s3 =	sadd.s32 $0x88, s3;
	s6 =	simm.s32 @!p1 $0x1082;
	[sflag:s4] =	ssyncset.s32 $0xFFFFF086  }
0x25: {  	[simem:s6], [sflag:s4] =	dma.local [hbm:s3], $0xF7A  }
0x26: {  	[smem:$0x3F9F] =	sst s1;
	(tag) =	ssettag s2;
	_ =	strace s9  }
0x27: {  	s1 =	sld [smem:$0x3FAF]  }
0x28: {  	s2 =	sld [smem:$0x3FB0]  }
0x29: {  	s4 =	sld [smem:$0x3FB2]  }
0x2a: {  	p0 =	seq.s32 s5, $0x0;
	s5 =	sld [smem:$0x3FB3]  }
0x2b: {  	s6 =	sld [smem:$0x3FB4]  }
0x2c: {  	s7 =	sld [smem:$0x3FB5]  }
0x2d: {  	s3 =	simm.s32 $0x108;
	s8 =	sld [smem:$0x3FB6]  }
0x2e: {  	s3 =	simm.s32 @!p0 $0x1082;
	s9 =	sld [smem:$0x3FB7]  }
0x2f: {  	lr =	sadd.s32 s0, s3;
	s0 =	sld [smem:$0x3FAE]  }
0x30: {  	s3 =	sld [smem:$0x3FB1]  }
0x31: {  	[smem:$0x3FBA] =	sst s10  }
0x32: {  	s10 =	sld [smem:$0x3FB8];
	_ =	sdelay $0x3  }
0x33: {  	p0 =	seq.s32 s10, $0x1;
	s10 =	sld [smem:$0x3FBA];
	_ =	sdelay $0x3  }
0x34: {  	[smem:$0x3FBA] =	sst s10  }
0x35: {  	s10 =	sld [smem:$0x3FB9];
	_ =	sdelay $0x3  }
0x36: {  	p1 =	seq.s32 s10, $0x1;
	s10 =	sld [smem:$0x3FBA];
	_ =	sdelay $0x3  }
0x37: {  	[smem:$0x3FBA] =	sst s10  }
0x38: {  	s10 =	sld [smem:$0x3FBB]  }
0x39: {  	_ = 	snop;
	(pc) =	sbr.ind lr, $3  }
0x3a: {  	_ = 	snop  }
0x3b: {  	_ = 	snop  }
0x3c: {  	p2 =	seq.s32 s10, $0x1;
	s10 =	sld [smem:$0x3FBA]  }
0x3d: {  	_ =	shalt  }
0x3e: {  	_ =	shalt  }
0x3f: {  	_ =	shalt  }
0x40: {  	_ =	shalt  }
0x41: {  	_ =	shalt  }
0x42: {  	_ =	shalt  }
0x43: {  	_ =	shalt  }
0x44: {  	_ =	shalt  }
0x45: {  	_ =	shalt  }
0x46: {  	_ =	shalt  }
0x47: {  	_ =	shalt  }
0x48: {  	_ =	shalt  }
0x49: {  	_ =	shalt  }
0x4a: {  	_ =	shalt  }
0x4b: {  	_ =	shalt  }
0x4c: {  	_ =	shalt  }
0x4d: {  	_ =	shalt  }
0x4e: {  	_ =	shalt  }
0x4f: {  	_ =	shalt  }
0x50: {  	_ =	shalt  }
0x51: {  	_ =	shalt  }
0x52: {  	_ =	shalt  }
0x53: {  	_ =	shalt  }
0x54: {  	_ =	shalt  }
0x55: {  	_ =	shalt  }
0x56: {  	_ =	shalt  }
0x57: {  	_ =	shalt  }
0x58: {  	_ =	shalt  }
0x59: {  	_ =	shalt  }
0x5a: {  	_ =	shalt  }
0x5b: {  	_ =	shalt  }
0x5c: {  	_ =	shalt  }
0x5d: {  	_ =	shalt  }
0x5e: {  	_ =	shalt  }
0x5f: {  	_ =	shalt  }
0x60: {  	_ =	shalt  }
0x61: {  	_ =	shalt  }
0x62: {  	_ =	shalt  }
0x63: {  	_ =	shalt  }
0x64: {  	_ =	shalt  }
0x65: {  	_ =	shalt  }
0x66: {  	_ =	shalt  }
0x67: {  	_ =	shalt  }
0x68: {  	_ =	shalt  }
0x69: {  	_ =	shalt  }
0x6a: {  	_ =	shalt  }
0x6b: {  	_ =	shalt  }
0x6c: {  	_ =	shalt  }
0x6d: {  	_ =	shalt  }
0x6e: {  	_ =	shalt  }
0x6f: {  	_ =	shalt  }
0x70: {  	_ =	shalt  }
0x71: {  	_ =	shalt  }
0x72: {  	_ =	shalt  }
0x73: {  	_ =	shalt  }
0x74: {  	_ =	shalt  }
0x75: {  	_ =	shalt  }
0x76: {  	_ =	shalt  }
0x77: {  	_ =	shalt  }
0x78: {  	_ =	shalt  }
0x79: {  	_ =	shalt  }
0x7a: {  	_ =	shalt  }
0x7b: {  	_ =	shalt  }
0x7c: {  	_ =	shalt  }
0x7d: {  	_ =	shalt  }
0x7e: {  	_ =	shalt  }
0x7f: {  	_ =	shalt  }
0x80: {  	_ =	shalt  }
0x81: {  	_ =	shalt  }
0x82: {  	_ =	shalt  }
0x83: {  	_ =	shalt  }
0x84: {  	_ =	shalt  }
0x85: {  	_ =	shalt  }
0x86: {  	_ =	shalt  }
0x87: {  	_ =	shalt  }
.Lfunc_end0:
.L_simem_size_0:
called_computation_lowered:
.L_overlay_start_0:
0x88: {  	s2 =	sld [smem:$0x3FD9]  }
0x89: {  	s3 =	sld [smem:$0x3FFE];
	_ =	sdelay $0x1  }
0x8a: {  	s1 =	srdreg.scid  }
0x8b: {  	s0 =	sand.u32 $0x1, s1  }
0x8c: {  	s18 =	sshll.u32 s0, $0xA;
	s2 =	sadd.s32 s3, s2  }
0x8d: {  	s2 =	sadd.s32 s2, s18  }
0x8e: {  	[smem:$0x3FC6] =	sst s2  }
0x8f: {  	_ = 	snop  }
0x90: {  	s2 =	sld [smem:$0x3FC9]  }
0x91: {  	s19 =	sld [smem:$0x3FC8]  }
0x92: {  	s4 =	sld [smem:$0x3FD0];
	(tm) =	ssettm $0x1  }
0x93: {  	s5 =	sld [smem:$0x3FFB];
	_ =	sdelay $0x3  }
0x94: {  	_ =	strace s5  }
0x95: {  	s5 =	sld [smem:$0x3FFC];
	_ =	sdelay $0x3  }
0x96: {  	_ =	strace s5  }
0x97: {  	s5 =	sld [smem:$0x3FFD];
	_ =	sdelay $0x3  }
0x98: {  	_ =	strace s5  }
0x99: {  	_ =	strace $0x8FFFFFFF  }
0x9a: {  	s20 =	sld [smem:$0x3FDB];
	_ =	sdelay $0x1  }
0x9b: {  	s6 =	simm.s32 $_scs_section_size  }
0x9c: {  	s7 =	simm.s32 $_size__tile_overlayer_lowered;
	s8 =	simm.s32 $_tile_overlayer_lowered  }
0x9d: {  	s23 =	simm.s32 $0x1BFF;
	s22 =	sshll.u32 s8, $0x1;
	s5 =	sadd.s32 s6, s20  }
0x9e: {  	s9 =	simm.s32 $0x0;
	s21 =	sshll.u32 s7, $0x1;
	s7 =	sadd.s32 s22, s5  }
0x9f: {  	[timem:s9], [sflag:s23] =	dma.local [hbm:s7], s21  }
0xa0: {  	_ =	swait.ge [sflag:s23], s21  }
0xa1: {  	s6 =	ssub.s32 $0x0, s21;
	[sflag:s23] =	ssyncset.done $0x0  }
0xa2: {  	[sflag:s23] =	ssyncadd.s32 s6;
	_ =	sdelay $0x1  }
0xa3: {  	s24 =	simm.s32 $0x1B8B  }
0xa4: {  	_ =	swait.ge [sflag:s24], $0x1  }
0xa5: {  	[sflag:s24] =	ssyncset.done $0x0  }
0xa6: {  	s25 =	simm.s32 $0x1B8E;
	[sflag:s24] =	ssyncadd.s32 $0xFFFFFFFF  }
0xa7: {  	s26 =	simm.s32 $execute0_lowered;
	[smem:$0x3FD2] =	sst s25  }
0xa8: {  	s6 =	sshll.u32 s26, $0x1;
	_ =	strace $0x80000046;
	[dreg:$0x1] =	wrdreg $0xFFFFFFFF  }
0xa9: {  	s28 =	simm.s32 $_size_execute0_lowered;
	s5 =	sadd.s32 s5, s6;
	[dreg:$0x0] =	wrdreg $0x0  }
0xaa: {  	s6 =	sshll.u32 s28, $0x1;
	[dreg:$0x2] =	wrdreg s5  }
0xab: {  	[dreg:$0x3] =	wrdreg s6  }
0xac: {  	[dreg:$0x4] =	wrdreg $0xC0  }
0xad: {  	_ =	task [dreg:s9], $0x5FFFF  }
0xae: {  	[dreg:$0x1] =	wrdreg $0xFFFFFFFF  }
0xaf: {  	[dreg:$0x0] =	wrdreg $0x60  }
0xb0: {  	[dreg:$0x2] =	wrdreg s2  }
0xb1: {  	[dreg:$0x3] =	wrdreg s19  }
0xb2: {  	[dreg:$0x4] =	wrdreg s4  }
0xb3: {  	[dreg:$0x5] =	wrdreg $0x9  }
0xb4: {  	_ =	task.clear_ibuf [dreg:s9], $0x6FFFF;
	_ =	strace $0x90000046  }
0xb5: {  	s29 =	simm.s32 $0x9;
	_ =	strace $0x80000048  }
0xb6: {  	_ =	swait.ge [sflag:s29], $0x1  }
0xb7: {  	[sflag:s29] =	ssyncadd.s32 $0xFFFFFFFF  }
0xb8: {  	_ =	strace $0x90000048  }
0xb9: {  	_ =	sfence  }
0xba: {  	s30 =	sld [smem:$0x0];
	_ =	sdelay $0x2  }
0xbb: {  	s31 =	sshll.u32 s1, $0xD;
	s1 =	sshrl.u32 s1, $0x2  }
0xbc: {  	s3 =	sand.u32 $0x4000, s31;
	s1 =	sadd.s32 s1, s30  }
0xbd: {  	s0 =	sor.u32 s3, s0;
	s1 =	sshll.u32 s1, $0x11  }
0xbe: {  	s0 =	sor.u32 s1, s0  }
0xbf: {  	s0 =	sadd.s32 $0x8F2B, s0  }
0xc0: {  	[sflag:s0] =	ssyncadd.remote.s32 $0x1  }
0xc1: {  	_ =	sfence.sel $0xFFFF  }
0xc2: {  	[dreg:$0x0] =	wrdreg $0xFFFFFFFF;
	(pc) =	sbr.abs _section_cstart, $3  }
0xc3: {  	[dreg:$0x1] =	wrdreg $0xFFFFFFFF  }
0xc4: {  	_ =	task.clear_ibuf [dreg:s9], $0x2FFFF;
	_ =	strace $0x9FFFFFFF  }
0xc5: {  	(tm) =	ssettm $0x7FFFFFFF  }
tec
execute0_lowered:
.L_overlay_start_1:
0x0: {  	(tag) =	ssettag $0x1  }
0x1: {  	s2 =	rddreg [dreg:$0x0]  }
0x2: {  	s3 =	rddreg [dreg:$0x1]  }
0x3: {  	s8 =	rddreg [dreg:$0x2];
	s0 =	stileid.u32  }
0x4: {  	s4 =	srdreg.scid;
	s1 =	rddreg [dreg:$0x3]  }
0x5: {  	s18 =	simm.s32 $0x2;
	s19 =	simm.s32 $0x1;
	s20 =	simm.s32 $0x80  }
0x6: {  	s21 =	simm.s32 $0x100;
	s22 =	simm.s32 $0x0;
	s5 =	smul.u32 $0x18000, s0  }
0x7: {  	s6 =	sand.u32 $0x1, s4;
	s30 =	sshll.u32 s0, $0xF;
	s4 =	simm.s32 $0x0  }
0x8: {  	p0 =	seq.s32 s6, $0x0;
	s7 =	sor.u32 $0x180000, s30;
	s6 =	ssub.s32 $0x2, s6  }
0x9: {  	[smem:$0x7FF] =	sst s4;
	s9 =	sshrl.u32 s5, $0x3;
	s5 =	smov.u32 @p0 s7  }
0xa: {  	s31 =	sshrl.u32 s6, $0x1;
	_ =	strace $0x80000047;
	s5 =	sshrl.u32 s5, $0x3  }
0xb: {  	s17 =	ssub.s32 s6, s31;
	s16 =	sadd.s32 s8, s9;
	s5 =	sadd.s32 s8, s5  }
0xc: {  	s9 =	sadd.s32 $0x1000, s16;
	s10 =	sadd.s32 $0x1400, s16;
	s11 =	sadd.s32 $0x1800, s16  }
0xd: {  	s12 =	sadd.s32 $0x1C00, s16;
	s13 =	sadd.s32 $0x2000, s16;
	s14 =	sadd.s32 $0x2400, s16  }
0xe: {  	s15 =	sadd.s32 $0x2800, s16;
	s16 =	sadd.s32 $0x2C00, s16;
	s17 =	smax.u32 s17, $0x1  }
0xf: {  	s6 =	sadd.s32 $0x400, s5;
	s7 =	sadd.s32 $0x800, s5;
	s8 =	sadd.s32 $0xC00, s5  }
.LBB2_1:
0x10: {  	[tilespmem:s4], [sflag:$0x2] =	stream.linear.gather [hbm4b:s2+s4], $0x80, $0x38;
	[tilespmem:$0x2100] =	vst v63  }
0x11: {  	_ =	swait.ge [sflag:s18], $0x80  }
0x12: {  	[sflag:s18] =	ssyncset.done $0x0  }
0x13: {  	[sflag:s18] =	ssyncadd.s32 $0xFFFFFF80  }
0x14: {  	[tilespmem:s20], [sflag:$0x1] =	stream.indirect.gather [hbm4b:s3+s19], $0x80, s4, s19, $0xb8;
	[tilespmem:$0x2100] =	vst v63  }
0x15: {  	_ =	swait.ge [sflag:s19], $0x80  }
0x16: {  	[sflag:s19] =	ssyncset.done $0x0  }
0x17: {  	[sflag:s19] =	ssyncadd.s32 $0xFFFFFF80  }
0x18: {  	v1 =	vld [tilespmem:$0x80]  }
0x19: {  	v0 =	vld [tilespmem:$0x90]  }
0x1a: {  	v2 =	vld [tilespmem:$0xA0]  }
0x1b: {  	v4 =	vld [tilespmem:$0xF0]  }
0x1c: {  	v5 =	vld [tilespmem:$0xE0]  }
0x1d: {  	v6 =	vld [tilespmem:$0xD0]  }
0x1e: {  	s23 =	simm.s32 $0x200;
	v7 =	vld [tilespmem:$0xC0]  }
0x1f: {  	v3 =	vld [tilespmem:$0xB0];
	[tilespmem:s23+$0xFFFFFF00] =	vst v1  }
0x20: {  	[tilespmem:s23+$0xF0] =	vst v4  }
0x21: {  	[tilespmem:s23+$0xE0] =	vst v5  }
0x22: {  	[tilespmem:s23+$0xD0] =	vst v6  }
0x23: {  	[tilespmem:s23+$0xC0] =	vst v7  }
0x24: {  	[tilespmem:s23+$0xB0] =	vst v3  }
0x25: {  	[tilespmem:s23+$0xA0] =	vst v2  }
0x26: {  	[tilespmem:s23+$0x90] =	vst v0  }
0x27: {  	[tilespmem:s23+$0x80] =	vst v1  }
0x28: {  	[tilespmem:s23+$0x70] =	vst v4  }
0x29: {  	[tilespmem:s23+$0x60] =	vst v5  }
0x2a: {  	[tilespmem:s23+$0x50] =	vst v6  }
0x2b: {  	[tilespmem:s23+$0x40] =	vst v7  }
0x2c: {  	[tilespmem:s23+$0x30] =	vst v3  }
0x2d: {  	[tilespmem:s23+$0x20] =	vst v2  }
0x2e: {  	[tilespmem:s23+$0x10] =	vst v0  }
0x2f: {  	[tilespmem:s23+$0x0] =	vst v1  }
0x30: {  	[tilespmem:s23+$0xFFFFFFF0] =	vst v4  }
0x31: {  	[tilespmem:s23+$0xFFFFFFE0] =	vst v5  }
0x32: {  	[tilespmem:s23+$0xFFFFFFD0] =	vst v6  }
0x33: {  	[tilespmem:s23+$0xFFFFFFC0] =	vst v7  }
0x34: {  	[tilespmem:s23+$0xFFFFFFB0] =	vst v3  }
0x35: {  	[tilespmem:s23+$0xFFFFFFA0] =	vst v2  }
0x36: {  	[tilespmem:s23+$0xFFFFFF90] =	vst v0  }
0x37: {  	[tilespmem:s23+$0xFFFFFF80] =	vst v1  }
0x38: {  	[tilespmem:s23+$0xFFFFFF70] =	vst v4  }
0x39: {  	[tilespmem:s23+$0xFFFFFF60] =	vst v5  }
0x3a: {  	[tilespmem:s23+$0xFFFFFF50] =	vst v6  }
0x3b: {  	[tilespmem:s23+$0xFFFFFF40] =	vst v7  }
0x3c: {  	[tilespmem:s23+$0xFFFFFF30] =	vst v3  }
0x3d: {  	s24 =	simm.s32 $0x0;
	[tilespmem:s23+$0xFFFFFF20] =	vst v2  }
.LBB2_2:
0x3e: {  	s24 =	sadd.s32 $0x4, s24;
	[tilespmem:s23+$0xFFFFFF10] =	vst v0;
	s23 =	sadd.s32 $0x200, s23  }
0x3f: {  	[tilespmem:s23+$0xFFFFFF00] =	vst v1;
	p1 =	slt.u32 s24, $0x3C  }
0x40: {  	[tilespmem:s23+$0xF0] =	vst v4  }
0x41: {  	[tilespmem:s23+$0xE0] =	vst v5  }
0x42: {  	[tilespmem:s23+$0xD0] =	vst v6  }
0x43: {  	[tilespmem:s23+$0xC0] =	vst v7  }
0x44: {  	[tilespmem:s23+$0xB0] =	vst v3  }
0x45: {  	[tilespmem:s23+$0xA0] =	vst v2  }
0x46: {  	[tilespmem:s23+$0x90] =	vst v0  }
0x47: {  	[tilespmem:s23+$0x80] =	vst v1  }
0x48: {  	[tilespmem:s23+$0x70] =	vst v4  }
0x49: {  	[tilespmem:s23+$0x60] =	vst v5  }
0x4a: {  	[tilespmem:s23+$0x50] =	vst v6  }
0x4b: {  	[tilespmem:s23+$0x40] =	vst v7  }
0x4c: {  	[tilespmem:s23+$0x30] =	vst v3  }
0x4d: {  	[tilespmem:s23+$0x20] =	vst v2  }
0x4e: {  	[tilespmem:s23+$0x10] =	vst v0  }
0x4f: {  	[tilespmem:s23+$0x0] =	vst v1  }
0x50: {  	[tilespmem:s23+$0xFFFFFFF0] =	vst v4  }
0x51: {  	[tilespmem:s23+$0xFFFFFFE0] =	vst v5  }
0x52: {  	[tilespmem:s23+$0xFFFFFFD0] =	vst v6  }
0x53: {  	[tilespmem:s23+$0xFFFFFFC0] =	vst v7  }
0x54: {  	[tilespmem:s23+$0xFFFFFFB0] =	vst v3  }
0x55: {  	[tilespmem:s23+$0xFFFFFFA0] =	vst v2  }
0x56: {  	[tilespmem:s23+$0xFFFFFF90] =	vst v0  }
0x57: {  	[tilespmem:s23+$0xFFFFFF80] =	vst v1  }
0x58: {  	[tilespmem:s23+$0xFFFFFF70] =	vst v4  }
.Ltmp0:
0x59: {  	[tilespmem:s23+$0xFFFFFF60] =	vst v5;
	(pc) =	sbr.rel @p1 .LBB2_2-.Ltmp0, $4  }
0x5a: {  	[tilespmem:s23+$0xFFFFFF50] =	vst v6  }
0x5b: {  	[tilespmem:s23+$0xFFFFFF40] =	vst v7  }
0x5c: {  	[tilespmem:s23+$0xFFFFFF30] =	vst v3  }
0x5d: {  	[tilespmem:s23+$0xFFFFFF20] =	vst v2  }
0x5e: {  	[tilespmem:s23+$0xFFFFFF10] =	vst v0  }
0x5f: {  	[hbm4b:s5+s4] =	stream.linear.scatter [tilespmem:s21], [sflag:$0x1], $0x2000, $0x38;
	[tilespmem:$0x2100] =	vst v63  }
0x60: {  	_ = 	snop  }
0x61: {  	[hbm4b:s6+s4] =	stream.linear.scatter [tilespmem:s21], [sflag:$0x1], $0x2000, $0x38;
	[tilespmem:$0x2100] =	vst v63  }
0x62: {  	_ = 	snop  }
0x63: {  	[hbm4b:s7+s4] =	stream.linear.scatter [tilespmem:s21], [sflag:$0x1], $0x2000, $0x38;
	[tilespmem:$0x2100] =	vst v63  }
0x64: {  	_ = 	snop  }
0x65: {  	[hbm4b:s8+s4] =	stream.linear.scatter [tilespmem:s21], [sflag:$0x1], $0x2000, $0x38;
	[tilespmem:$0x2100] =	vst v63  }
0x66: {  	s23 =	simm.s32 @!p0 $0x0;
	s24 =	simm.s32 @!p0 $0x100  }
0x67: {  	[hbm4b:s9+s23] =	stream.linear.scatter @!p0 [tilespmem:s24], [sflag:$0x1], $0x2000, $0x38;
	[tilespmem:$0x2100] =	vst v63  }
0x68: {  	_ = 	snop  }
0x69: {  	[hbm4b:s10+s23] =	stream.linear.scatter @!p0 [tilespmem:s24], [sflag:$0x1], $0x2000, $0x38;
	[tilespmem:$0x2100] =	vst v63  }
0x6a: {  	_ = 	snop  }
0x6b: {  	[hbm4b:s11+s23] =	stream.linear.scatter @!p0 [tilespmem:s24], [sflag:$0x1], $0x2000, $0x38;
	[tilespmem:$0x2100] =	vst v63  }
0x6c: {  	_ = 	snop  }
0x6d: {  	[hbm4b:s12+s23] =	stream.linear.scatter @!p0 [tilespmem:s24], [sflag:$0x1], $0x2000, $0x38;
	[tilespmem:$0x2100] =	vst v63  }
0x6e: {  	_ = 	snop  }
0x6f: {  	[hbm4b:s13+s23] =	stream.linear.scatter @!p0 [tilespmem:s24], [sflag:$0x1], $0x2000, $0x38;
	[tilespmem:$0x2100] =	vst v63  }
0x70: {  	_ = 	snop  }
0x71: {  	[hbm4b:s14+s23] =	stream.linear.scatter @!p0 [tilespmem:s24], [sflag:$0x1], $0x2000, $0x38;
	[tilespmem:$0x2100] =	vst v63  }
0x72: {  	_ = 	snop  }
0x73: {  	[hbm4b:s15+s23] =	stream.linear.scatter @!p0 [tilespmem:s24], [sflag:$0x1], $0x2000, $0x38;
	[tilespmem:$0x2100] =	vst v63  }
0x74: {  	_ = 	snop  }
0x75: {  	[hbm4b:s16+s23] =	stream.linear.scatter @!p0 [tilespmem:s24], [sflag:$0x1], $0x2000, $0x38;
	[tilespmem:$0x2100] =	vst v63  }
0x76: {  	s23 =	simm.s32 @!p0 $0x1  }
0x77: {  	_ =	swait.ge @!p0 [sflag:s23], $0x2000  }
0x78: {  	[sflag:s23] =	ssyncset.done @!p0 $0x0  }
0x79: {  	[sflag:s23] =	ssyncadd.s32 @!p0 $0xFFFFE000  }
0x7a: {  	_ =	swait.ge @!p0 [sflag:s23], $0x2000  }
0x7b: {  	[sflag:s23] =	ssyncset.done @!p0 $0x0  }
0x7c: {  	[sflag:s23] =	ssyncadd.s32 @!p0 $0xFFFFE000  }
0x7d: {  	_ =	swait.ge @!p0 [sflag:s23], $0x2000  }
0x7e: {  	[sflag:s23] =	ssyncset.done @!p0 $0x0  }
0x7f: {  	[sflag:s23] =	ssyncadd.s32 @!p0 $0xFFFFE000  }
0x80: {  	_ =	swait.ge @!p0 [sflag:s23], $0x2000  }
0x81: {  	[sflag:s23] =	ssyncset.done @!p0 $0x0  }
0x82: {  	[sflag:s23] =	ssyncadd.s32 @!p0 $0xFFFFE000  }
0x83: {  	_ =	swait.ge @!p0 [sflag:s23], $0x2000  }
0x84: {  	[sflag:s23] =	ssyncset.done @!p0 $0x0  }
0x85: {  	[sflag:s23] =	ssyncadd.s32 @!p0 $0xFFFFE000  }
0x86: {  	_ =	swait.ge @!p0 [sflag:s23], $0x2000  }
0x87: {  	[sflag:s23] =	ssyncset.done @!p0 $0x0  }
0x88: {  	[sflag:s23] =	ssyncadd.s32 @!p0 $0xFFFFE000  }
0x89: {  	_ =	swait.ge @!p0 [sflag:s23], $0x2000  }
0x8a: {  	[sflag:s23] =	ssyncset.done @!p0 $0x0  }
0x8b: {  	[sflag:s23] =	ssyncadd.s32 @!p0 $0xFFFFE000  }
0x8c: {  	_ =	swait.ge @!p0 [sflag:s23], $0x2000  }
0x8d: {  	[sflag:s23] =	ssyncset.done @!p0 $0x0  }
0x8e: {  	[sflag:s23] =	ssyncadd.s32 @!p0 $0xFFFFE000  }
0x8f: {  	_ =	swait.ge [sflag:s19], $0x2000  }
0x90: {  	[sflag:s19] =	ssyncset.done $0x0  }
0x91: {  	[sflag:s19] =	ssyncadd.s32 $0xFFFFE000  }
0x92: {  	_ =	swait.ge [sflag:s19], $0x2000  }
0x93: {  	[sflag:s19] =	ssyncset.done $0x0  }
0x94: {  	s22 =	sadd.s32 $0x1, s22;
	[sflag:s19] =	ssyncadd.s32 $0xFFFFE000  }
0x95: {  	p1 =	sne.s32 s22, s17;
	_ =	swait.ge [sflag:s19], $0x2000  }
.Ltmp1:
0x96: {  	[sflag:s19] =	ssyncset.done $0x0;
	(pc) =	sbr.rel @p1 .LBB2_1-.Ltmp1, $4  }
0x97: {  	[sflag:s19] =	ssyncadd.s32 $0xFFFFE000  }
0x98: {  	_ =	swait.ge [sflag:s19], $0x2000  }
0x99: {  	[sflag:s19] =	ssyncset.done $0x0  }
0x9a: {  	[sflag:s19] =	ssyncadd.s32 $0xFFFFE000  }
0x9b: {  	_ =	sfence.sel $0x180000  }
0x9c: {  	[bflag:$0x0] =	sbarrier.arrive $0xFFFF  }
0x9d: {  	p0 =	sne.s32 s0, $0x0;
	_ =	strace $0x90000047  }
0x9e: {  	s0 =	sadd.s32 @!p0 $0x100000, s1;
	[bflag:$0x2] =	sbarrier.arrive $0xFFFF  }
0x9f: {  	[sflag:s0] =	ssyncadd.tile.s32 @!p0 $0x1;
	_ =	shalt  }
.Lfunc_end2:
_tile_overlayer_lowered:
.L_overlay_start_2:
0xa0: {  	(tag) =	ssettag $0x2  }
0xa1: {  	s0 =	rddreg [dreg:$0x0];
	s2 =	stileid.u32  }
0xa2: {  	s1 =	rddreg [dreg:$0x1];
	p0 =	sne.s32 s2, $0x0  }
0xa3: {  	s3 =	rddreg [dreg:$0x2];
	[bflag:$0x3] =	sbarrier.arrive $0xFFFF;
	s2 =	simm.s32 @!p0 $0x1C02  }
0xa4: {  	[timem:s3], [sflag:s2] =	dma.local @!p0 [hbm:s0], s1  }
0xa5: {  	s0 =	simm.s32 @!p0 $0x2  }
0xa6: {  	_ =	swait.ge @!p0 [sflag:s0], s1  }
0xa7: {  	s1 =	ssub.s32 @!p0 $0x0, s1;
	[sflag:s0] =	ssyncset.done @!p0 $0x0  }
0xa8: {  	[sflag:s0] =	ssyncadd.s32 @!p0 s1  }
0xa9: {  	[bflag:$0x3] =	sbarrier.arrive $0xFFFF  }
0xaa: {  	_ =	shalt  }

</sc_bundles>
